<compile_context>
chip_gen: v7x
topology: tpu7x:2x2x1
jax: 0.10.2.dev20260603
libtpu: 0.0.44.dev20260713+nightly
codegen_flags: <defaults>
</compile_context>

<pallas_src>
import functools

import jax
import jax.numpy as jnp
import numpy as np
from jax import lax
from jax.experimental import pallas as pl
from jax.experimental.pallas import tpu as pltpu
from jax.experimental.pallas import tpu_sc as plsc

N = 10000
E = 160000
D_IN = 256
H = 512
K = H // 2
GRID_SIZE = 5
SPLINE_ORDER = 3

NPAD = 10240
NTRASH = 240
CHUNK = 128
EPC = 1280
EP = EPC * CHUNK
CPS = EPC // 16
NBUF = 2
RPS = NPAD // 16
BLK = 1024
NBLK = NPAD // BLK

_G = (np.arange(-SPLINE_ORDER, GRID_SIZE + SPLINE_ORDER + 1, dtype=np.float32)
      * np.float32(2.0 / GRID_SIZE) - np.float32(1.0))

def _sc_mesh():
    return plsc.VectorSubcoreMesh(core_axis_name="c", subcore_axis_name="s")



@jax.jit
def _sc_counts(dsts2, ones_blk, zeros_blk):

    @functools.partial(
        pl.kernel,
        out_type=jax.ShapeDtypeStruct((2 * NPAD, 128), jnp.float32),
        mesh=_sc_mesh(),
        scratch_types=[
            pltpu.VMEM((CPS, CHUNK), jnp.int32),
            pltpu.VMEM((CHUNK, 128), jnp.float32),
            pltpu.VMEM_SHARED((NPAD, 128), jnp.float32),
            pltpu.SemaphoreType.DMA,
        ],
    )
    def kern(dsts_hbm, ones_hbm, zeros_hbm, out_hbm, dst_all, ones_v, acc, sem):
        c = lax.axis_index("c")
        s = lax.axis_index("s")
        pltpu.sync_copy(zeros_hbm, acc.at[pl.ds(s * RPS, RPS)])
        pltpu.sync_copy(ones_hbm, ones_v)
        pltpu.sync_copy(dsts_hbm.at[pl.ds(c * EPC + s * CPS, CPS)], dst_all)
        plsc.subcore_barrier()

        @pl.loop(0, CPS)
        def _(j):
            pltpu.sync_copy(ones_v, acc.at[dst_all.at[j]], add=True)

        plsc.subcore_barrier()
        pltpu.sync_copy(acc.at[pl.ds(s * RPS, RPS)],
                        out_hbm.at[pl.ds(c * NPAD + s * RPS, RPS)])

    return kern(dsts2, ones_blk, zeros_blk)


@jax.jit
def _sc_segsum(table, srcs2, dsts, zeros_blk):

    @functools.partial(
        pl.kernel,
        out_type=jax.ShapeDtypeStruct((2 * NPAD, 128), jnp.float32),
        mesh=_sc_mesh(),
        scratch_types=[
            pltpu.VMEM((CPS, CHUNK), jnp.int32),
        ] + [pltpu.VMEM((CHUNK,), jnp.int32) for _ in range(NBUF)]
          + [pltpu.VMEM((CHUNK, 128), jnp.float32) for _ in range(NBUF)]
          + [pltpu.SemaphoreType.DMA for _ in range(NBUF)]
          + [pltpu.VMEM_SHARED((NPAD, 128), jnp.float32)],
    )
    def kern(table_hbm, srcs_hbm, dsts_hbm, zeros_hbm, out_hbm,
             dst_all, *rest):
        src_v = rest[:NBUF]
        rows = rest[NBUF:2 * NBUF]
        sems = rest[2 * NBUF:3 * NBUF]
        acc = rest[3 * NBUF]
        c = lax.axis_index("c")
        s = lax.axis_index("s")
        pltpu.sync_copy(zeros_hbm, acc.at[pl.ds(s * RPS, RPS)])
        pltpu.sync_copy(dsts_hbm.at[pl.ds(s * CPS, CPS)], dst_all)
        plsc.subcore_barrier()

        for b in range(NBUF):
            pltpu.sync_copy(srcs_hbm.at[c * EPC + s * CPS + b], src_v[b])
            pltpu.async_copy(table_hbm.at[src_v[b]], rows[b], sems[b])

        @pl.loop(0, CPS // NBUF)
        def _(i):
            for b in range(NBUF):
                j = i * NBUF + b
                pltpu.make_async_copy(
                    table_hbm.at[src_v[b]], rows[b], sems[b]).wait()
                pltpu.sync_copy(rows[b], acc.at[dst_all.at[j]], add=True)

                @pl.when(j + NBUF < CPS)
                def _():
                    pltpu.sync_copy(
                        srcs_hbm.at[c * EPC + s * CPS + j + NBUF], src_v[b])
                    pltpu.async_copy(table_hbm.at[src_v[b]], rows[b], sems[b])

        plsc.subcore_barrier()
        pltpu.sync_copy(acc.at[pl.ds(s * RPS, RPS)],
                        out_hbm.at[pl.ds(c * NPAD + s * RPS, RPS)])

    return kern(table, srcs2, dsts, zeros_blk)



def _scale_body(x_ref, cnt_ref, out_ref):
    dinv = lax.rsqrt(cnt_ref[:, 0:1] + 1.0)
    xs = x_ref[...] * dinv
    out_ref[0] = xs[:, :128]
    out_ref[1] = xs[:, 128:]


@jax.jit
def _tc_scale(xp, cnt):
    return pl.pallas_call(
        _scale_body,
        grid=(NBLK,),
        in_specs=[
            pl.BlockSpec((BLK, 256), lambda i: (i, 0)),
            pl.BlockSpec((BLK, 16), lambda i: (i, 0)),
        ],
        out_specs=pl.BlockSpec((2, BLK, 128), lambda i: (0, i, 0)),
        out_shape=jax.ShapeDtypeStruct((2, NPAD, 128), jnp.float32),
    )(xp, cnt)


def _cat_halves(st):
    return jnp.concatenate([st[0], st[1]], axis=1)


def _dot(a, b):
    return jnp.dot(a, b)


def _dot_t(a, w):
    return lax.dot_general(a, w, (((1,), (1,)), ((), ())))


def _bf(x):
    return x.astype(jnp.bfloat16).astype(jnp.float32)


def _dense_body(s0_ref, xs0_ref, s1_ref, xs1_ref, cnt0_ref, cnt1_ref,
                g1w_ref, g1b_ref, g2w_ref, g2b_ref,
                s1wl_ref, s1wr_ref, s1bl_ref, s2wl_ref, s2wr_ref, s2bl_ref,
                ya_ref, yb_ref, ra_ref, rb_ref):
    dinv0 = lax.rsqrt(cnt0_ref[:, 0:1] + 1.0)
    dinv1 = lax.rsqrt(cnt1_ref[:, 0:1] + 1.0)
    agg0 = dinv0 * (_cat_halves(s0_ref[...]) + _cat_halves(xs0_ref[...]))
    agg1 = dinv1 * (_cat_halves(s1_ref[...]) + _cat_halves(xs1_ref[...]))
    h0a = jax.nn.relu(_dot(agg0, g1w_ref[...]) + g1b_ref[...])
    h1c = _dot(agg1, g2w_ref[...]) + g2b_ref[...]
    h1 = jax.nn.relu(h1c)
    h0 = h0a + h1
    bpre = h1 + h1c

    ya = _dot_t(h0, s1wl_ref[...])
    yb = _dot_t(bpre, s2wl_ref[...])
    ya_ref[0], ya_ref[1] = ya[:, :128], ya[:, 128:]
    yb_ref[0], yb_ref[1] = yb[:, :128], yb[:, 128:]
    ra_ref[...] = _dot_t(h0, s1wr_ref[...]) + s1bl_ref[...]
    rb_ref[...] = _dot_t(bpre, s2wr_ref[...]) + s2bl_ref[...]


@jax.jit
def _tc_dense(s0, xs0, s1, xs1, cnt0, cnt1, g1w, g1b, g2w, g2b,
              s1wl, s1wr, s1bl, s2wl, s2wr, s2bl):
    st_spec = pl.BlockSpec((2, BLK, 128), lambda i: (0, i, 0))
    cnt_spec = pl.BlockSpec((BLK, 16), lambda i: (i, 0))
    full = lambda shape: pl.BlockSpec(shape, lambda i: tuple(0 for _ in shape))
    return pl.pallas_call(
        _dense_body,
        grid=(NBLK,),
        in_specs=[st_spec, st_spec, st_spec, st_spec, cnt_spec, cnt_spec,
                  full((256, 512)), full((1, 512)), full((256, 512)),
                  full((1, 512)),
                  full((256, 512)), full((256, 512)), full((1, 256)),
                  full((256, 512)), full((256, 512)), full((1, 256))],
        out_specs=[st_spec, st_spec,
                   pl.BlockSpec((BLK, 256), lambda i: (i, 0)),
                   pl.BlockSpec((BLK, 256), lambda i: (i, 0))],
        out_shape=[jax.ShapeDtypeStruct((2, NPAD, 128), jnp.float32),
                   jax.ShapeDtypeStruct((2, NPAD, 128), jnp.float32),
                   jax.ShapeDtypeStruct((NPAD, 256), jnp.float32),
                   jax.ShapeDtypeStruct((NPAD, 256), jnp.float32)],
    )(s0, xs0, s1, xs1, cnt0, cnt1, g1w, g1b, g2w, g2b,
      s1wl, s1wr, s1bl, s2wl, s2wr, s2bl)


def _silu(x):
    return x / (1.0 + jnp.exp(-x))


def _basis8(x):
    b = [jnp.where((x >= _G[j]) & (x < _G[j + 1]), 1.0, 0.0) for j in range(11)]
    for k in range(1, SPLINE_ORDER + 1):
        nb = []
        for j in range(11 - k):
            linv = np.float32(1.0) / (_G[j + k] - _G[j])
            rinv = np.float32(1.0) / (_G[j + k + 1] - _G[j + 1])
            nb.append((x - _G[j]) * linv * b[j]
                      + (_G[j + k + 1] - x) * rinv * b[j + 1])
        b = nb
    return b


def _kan_scalar(z, k1bw_ref, sc1_ref, k2bw_ref, w2_ref):
    b1 = _basis8(z)
    z1 = _dot(_silu(z), k1bw_ref[...])
    for c in range(8):
        z1 = z1 + _dot(b1[c], sc1_ref[c])
    b2 = _basis8(z1)
    out = jnp.sum(_bf(_silu(z1)) * _bf(k2bw_ref[...]), axis=1)
    for c in range(8):
        out = out + jnp.sum(_bf(b2[c]) * _bf(w2_ref[c:c + 1, :]), axis=1)
    return out


def _kan_body(sa_ref, sb_ref, ra_ref, rb_ref, cnt0_ref, cnt1_ref,
              k1bw_ref, sc1_ref, k2bw_ref, w2_ref, out_ref):
    i = pl.program_id(0)
    cnt0c = jnp.maximum(cnt0_ref[:, 0:1], 1.0)
    cnt1c = jnp.maximum(cnt1_ref[:, 0:1], 1.0)
    a = jax.nn.relu(_cat_halves(sa_ref[...]) / cnt0c + ra_ref[...])
    bb = jax.nn.relu(_cat_halves(sb_ref[...]) / cnt1c + rb_ref[...])
    va = _kan_scalar(a, k1bw_ref, sc1_ref, k2bw_ref, w2_ref)
    vb = _kan_scalar(bb, k1bw_ref, sc1_ref, k2bw_ref, w2_ref)
    rows = i * BLK + lax.broadcasted_iota(jnp.int32, (BLK,), 0)
    valid = rows < N
    part = jnp.sum(jnp.where(valid, va + vb, 0.0))

    @pl.when(i == 0)
    def _():
        out_ref[0, 0] = 0.0

    acc = out_ref[0, 0] + part

    @pl.when(i == NBLK - 1)
    def _():
        out_ref[0, 0] = acc / np.float32(2 * N)

    @pl.when(i < NBLK - 1)
    def _():
        out_ref[0, 0] = acc


@jax.jit
def _tc_kan(sa, sb, ra, rb, cnt0, cnt1, k1bw, sc1, k2bw, w2):
    st_spec = pl.BlockSpec((2, BLK, 128), lambda i: (0, i, 0))
    cnt_spec = pl.BlockSpec((BLK, 16), lambda i: (i, 0))
    full = lambda shape: pl.BlockSpec(shape, lambda i: tuple(0 for _ in shape))
    return pl.pallas_call(
        _kan_body,
        grid=(NBLK,),
        in_specs=[st_spec, st_spec,
                  pl.BlockSpec((BLK, 256), lambda i: (i, 0)),
                  pl.BlockSpec((BLK, 256), lambda i: (i, 0)),
                  cnt_spec, cnt_spec,
                  full((256, 256)), full((8, 256, 256)),
                  full((1, 256)), full((8, 256))],
        out_specs=pl.BlockSpec((1, 1), lambda i: (0, 0),
                               memory_space=pltpu.SMEM),
        out_shape=jax.ShapeDtypeStruct((1, 1), jnp.float32),
    )(sa, sb, ra, rb, cnt0, cnt1, k1bw, sc1, k2bw, w2)



def _prep_edges(edge_index):
    src = edge_index[0].astype(jnp.int32)
    dst = edge_index[1].astype(jnp.int32)
    pad_n = EP - E
    pad_src = (jnp.arange(pad_n, dtype=jnp.int32) % N)
    pad_dst = N + (jnp.arange(pad_n, dtype=jnp.int32) % NTRASH)
    srcp = jnp.concatenate([src, pad_src])
    dstp = jnp.concatenate([dst, pad_dst])
    srcs2 = jnp.concatenate([srcp, srcp + NPAD]).reshape(2 * EPC, CHUNK)
    dsts = dstp.reshape(EPC, CHUNK)
    return srcs2, dsts


def kernel(x, x1, edge_index, edge_index1, gcn1_W, gcn1_b, gcn2_W, gcn2_b,
           sage1_Wl, sage1_bl, sage1_Wr, sage2_Wl, sage2_bl, sage2_Wr,
           kan1_base_w, kan1_spline_w, kan1_scaler,
           kan2_base_w, kan2_spline_w, kan2_scaler):
    f32 = jnp.float32
    srcs0, dsts0 = _prep_edges(edge_index)
    srcs1, dsts1 = _prep_edges(edge_index1)

    ones_blk = jnp.ones((CHUNK, 128), f32)
    zeros_blk = jnp.zeros((RPS, 128), f32)

    dsts_both = jnp.concatenate([dsts0, dsts1], axis=0)
    cnt_all = _sc_counts(dsts_both, ones_blk, zeros_blk)
    cnt0 = cnt_all[:NPAD, :16]
    cnt1 = cnt_all[NPAD:, :16]

    xp = jnp.pad(x.astype(f32), ((0, NPAD - N), (0, 0)))
    x1p = jnp.pad(x1.astype(f32), ((0, NPAD - N), (0, 0)))
    xs0 = _tc_scale(xp, cnt0)
    xs1 = _tc_scale(x1p, cnt1)

    s0 = _sc_segsum(xs0.reshape(2 * NPAD, 128), srcs0, dsts0, zeros_blk)
    s1 = _sc_segsum(xs1.reshape(2 * NPAD, 128), srcs1, dsts1, zeros_blk)

    ya, yb, ra, rb = _tc_dense(
        s0.reshape(2, NPAD, 128), xs0, s1.reshape(2, NPAD, 128), xs1,
        cnt0, cnt1, gcn1_W, gcn1_b.reshape(1, H), gcn2_W, gcn2_b.reshape(1, H),
        sage1_Wl, sage1_Wr, sage1_bl.reshape(1, K),
        sage2_Wl, sage2_Wr, sage2_bl.reshape(1, K))

    sa = _sc_segsum(ya.reshape(2 * NPAD, 128), srcs0, dsts0, zeros_blk)
    sb = _sc_segsum(yb.reshape(2 * NPAD, 128), srcs1, dsts1, zeros_blk)

    scaled1 = (kan1_spline_w * kan1_scaler[:, :, None]).reshape(K, K * 8)
    sc1 = scaled1.reshape(K, K, 8).transpose(2, 1, 0)
    w2 = (kan2_spline_w * kan2_scaler[:, :, None]).reshape(K, 8).T

    return _tc_kan(sa.reshape(2, NPAD, 128), sb.reshape(2, NPAD, 128),
                   ra, rb, cnt0, cnt1, kan1_base_w.T, sc1, kan2_base_w, w2)

# --- scband reference (transcript-rebuilt; emitter-appended) ---
"""Pipeline reference for scband-kan-gcn-21646635172742 (READ-ONLY COPY).

The authoritative reference and input builder live on the scoring server;
editing this copy changes nothing except your own understanding.
"""

import jax, jax.numpy as jnp
import numpy as np

N = 10000
E = 160000
D_IN = 256
H = 512
K = H // 2
GRID_SIZE = 5
SPLINE_ORDER = 3
COEF = GRID_SIZE + SPLINE_ORDER


def make_grid(in_features):
    h = 2.0 / GRID_SIZE
    g = jnp.arange(-SPLINE_ORDER, GRID_SIZE + SPLINE_ORDER + 1, dtype=jnp.float32) * h - 1.0
    return jnp.tile(g[None, :], (in_features, 1))


def b_splines(x, grid):
    # efficient-kan B-spline bases: x [N, in] -> [N, in, GRID_SIZE + SPLINE_ORDER]
    xg = x[:, :, None]
    bases = ((xg >= grid[:, :-1]) & (xg < grid[:, 1:])).astype(x.dtype)
    for k in range(1, SPLINE_ORDER + 1):
        left = (xg - grid[:, : -(k + 1)]) / (grid[:, k:-1] - grid[:, : -(k + 1)]) * bases[:, :, :-1]
        right = (grid[:, k + 1:] - xg) / (grid[:, k + 1:] - grid[:, 1:-k]) * bases[:, :, 1:]
        bases = left + right
    return bases


def kan_linear(x, base_w, spline_w, scaler, grid):
    base_out = jax.nn.silu(x) @ base_w.T
    sb = b_splines(x, grid).reshape(x.shape[0], -1)
    scaled = (spline_w * scaler[:, :, None]).reshape(base_w.shape[0], -1)
    return base_out + sb @ scaled.T


def gcn_conv(x, edge_index, W, b, num_nodes):
    # PyG GCNConv: lin -> add self-loops -> sym-normalized aggregation -> bias
    xw = x @ W
    loop = jnp.arange(num_nodes, dtype=edge_index.dtype)
    src = jnp.concatenate([edge_index[0], loop])
    dst = jnp.concatenate([edge_index[1], loop])
    deg = jnp.zeros((num_nodes,), xw.dtype).at[dst].add(1.0)
    dinv = jnp.where(deg > 0, 1.0 / jnp.sqrt(deg), 0.0)
    norm = dinv[src] * dinv[dst]
    msg = xw[src] * norm[:, None]
    out = jnp.zeros((num_nodes, xw.shape[1]), xw.dtype).at[dst].add(msg)
    return out + b


def sage_conv(x, edge_index, Wl, bl, Wr, num_nodes):
    # PyG SAGEConv (mean aggr): lin_l(mean_neighbors) + lin_r(x)
    src, dst = edge_index[0], edge_index[1]
    summed = jnp.zeros((num_nodes, x.shape[1]), x.dtype).at[dst].add(x[src])
    cnt = jnp.zeros((num_nodes,), x.dtype).at[dst].add(1.0)
    mean = summed / jnp.maximum(cnt, 1.0)[:, None]
    return mean @ Wl.T + bl + x @ Wr.T


def setup_inputs(seed: int = 0):
    key = jax.random.key(seed)
    ks = jax.random.split(key, 20)
    inp = {}
    inp["x"] = jax.random.normal(ks[0], (N, D_IN), dtype=jnp.float32)
    inp["x1"] = jax.random.normal(ks[1], (N, D_IN), dtype=jnp.float32)
    inp["edge_index"] = jax.random.randint(ks[2], (2, E), 0, N)
    inp["edge_index1"] = jax.random.randint(ks[3], (2, E), 0, N)
    s_in = 1.0 / np.sqrt(D_IN)
    s_h = 1.0 / np.sqrt(H)
    s_k = 1.0 / np.sqrt(K)
    inp["gcn1_W"] = jax.random.normal(ks[4], (D_IN, H), dtype=jnp.float32) * s_in
    inp["gcn1_b"] = jnp.zeros((H,), jnp.float32)
    inp["gcn2_W"] = jax.random.normal(ks[5], (D_IN, H), dtype=jnp.float32) * s_in
    inp["gcn2_b"] = jnp.zeros((H,), jnp.float32)
    inp["sage1_Wl"] = jax.random.normal(ks[6], (K, H), dtype=jnp.float32) * s_h
    inp["sage1_bl"] = jnp.zeros((K,), jnp.float32)
    inp["sage1_Wr"] = jax.random.normal(ks[7], (K, H), dtype=jnp.float32) * s_h
    inp["sage2_Wl"] = jax.random.normal(ks[8], (K, H), dtype=jnp.float32) * s_h
    inp["sage2_bl"] = jnp.zeros((K,), jnp.float32)
    inp["sage2_Wr"] = jax.random.normal(ks[9], (K, H), dtype=jnp.float32) * s_h
    inp["kan1_base_w"] = jax.random.normal(ks[10], (K, K), dtype=jnp.float32) * s_k
    inp["kan1_spline_w"] = jax.random.normal(ks[11], (K, K, COEF), dtype=jnp.float32) * (0.1 * s_k)
    inp["kan1_scaler"] = jnp.ones((K, K), jnp.float32)
    inp["kan2_base_w"] = jax.random.normal(ks[12], (1, K), dtype=jnp.float32) * s_k
    inp["kan2_spline_w"] = jax.random.normal(ks[13], (1, K, COEF), dtype=jnp.float32) * (0.1 * s_k)
    inp["kan2_scaler"] = jnp.ones((1, K), jnp.float32)
    return inp


def reference(x, x1, edge_index, edge_index1, gcn1_W, gcn1_b, gcn2_W, gcn2_b, sage1_Wl, sage1_bl, sage1_Wr, sage2_Wl, sage2_bl, sage2_Wr, kan1_base_w, kan1_spline_w, kan1_scaler, kan2_base_w, kan2_spline_w, kan2_scaler):
    num_nodes = x.shape[0]
    grid1 = make_grid(K)
    grid2 = make_grid(K)

    def kan(z):
        z = kan_linear(z, kan1_base_w, kan1_spline_w, kan1_scaler, grid1)
        z = kan_linear(z, kan2_base_w, kan2_spline_w, kan2_scaler, grid2)
        return z

    # conv2_1 branch (pre-relu output is reused later)
    h1c = gcn_conv(x1, edge_index1, gcn2_W, gcn2_b, num_nodes)
    h1 = jax.nn.relu(h1c)  # x1_0
    # conv1_1 branch
    h0 = jax.nn.relu(gcn_conv(x, edge_index, gcn1_W, gcn1_b, num_nodes)) + h1  # x0
    # branch A: SAGE on graph 1 + KAN (dropout is identity in eval)
    a = jax.nn.relu(sage_conv(h0, edge_index, sage1_Wl, sage1_bl, sage1_Wr, num_nodes))
    a = jnp.squeeze(kan(a))
    # branch B: x1_0 + x1 (pre-relu), SAGE on graph 2 + KAN
    bpre = h1 + h1c
    bb = jax.nn.relu(sage_conv(bpre, edge_index1, sage2_Wl, sage2_bl, sage2_Wr, num_nodes))
    bb = jnp.squeeze(kan(bb))
    cat = jnp.concatenate([a, bb], axis=0)[None, :]
    out = jnp.mean(cat)
    return out[None, None]

if __name__ == "__main__":
    import jax
    _d = setup_inputs()
    print(jax.jit(kernel)(*tuple(_d.values())))

</pallas_src>

<mosaic_0001>
#map = affine_map<(d0, d1) -> (0, 0)>
module attributes {stable_mosaic.version = 14 : i64} {
  func.func @kern(%arg0: i32, %arg1: i32, %arg2: memref<2560x128xi32, #tpu.memory_space<hbm>>, %arg3: memref<128x128xf32, #tpu.memory_space<hbm>>, %arg4: memref<640x128xf32, #tpu.memory_space<hbm>>, %arg5: memref<20480x128xf32, #tpu.memory_space<hbm>>, %arg6: memref<80x128xi32, #tpu.memory_space<vmem>>, %arg7: memref<128x128xf32, #tpu.memory_space<vmem>>, %arg8: memref<10240x128xf32, #tpu.memory_space<vmem_shared>>, %arg9: memref<!tpu.dma_semaphore, #tpu.memory_space<semaphore_mem>>) attributes {dimension_semantics = [#tpu.dimension_semantics<core_parallel>, #tpu.dimension_semantics<subcore_parallel>], iteration_bounds = array<i64: 2, 16>, scalar_prefetch = 0 : i64, scratch_operands = 4 : i64, tpu.core_type = #tpu.core_type<sc_vector_subcore>, window_params = [{transform_indices = #map}, {transform_indices = #map}, {transform_indices = #map}, {transform_indices = #map}]} {
    %mul3A = arith.constant 640 : i32
    %mul3A_0 = arith.muli %arg1, %mul3A : i32
    "tpu.region"() ({
      %run_scoped3A = tpu.sem_alloc : memref<!tpu.dma_semaphore, #tpu.memory_space<semaphore_mem>>
      %dma_start3A = arith.constant 0 : i32
      %dma_start3A_17 = tpu.memref_slice %arg8[%mul3A_0, %dma_start3A] : memref<10240x128xf32, #tpu.memory_space<vmem_shared>> -> memref<640x128xf32, #tpu.memory_space<vmem_shared>>
      tpu.enqueue_dma source(%arg4 : memref<640x128xf32, #tpu.memory_space<hbm>>) target(%dma_start3A_17 : memref<640x128xf32, #tpu.memory_space<vmem_shared>>) target_semaphore(%run_scoped3A : memref<!tpu.dma_semaphore, #tpu.memory_space<semaphore_mem>>)
      %dma_wait3A = arith.constant 0 : i32
      %dma_wait3A_18 = tpu.memref_slice %arg8[%mul3A_0, %dma_wait3A] : memref<10240x128xf32, #tpu.memory_space<vmem_shared>> -> memref<640x128xf32, #tpu.memory_space<vmem_shared>>
      tpu.wait_dma2 semaphore(%run_scoped3A : memref<!tpu.dma_semaphore, #tpu.memory_space<semaphore_mem>>) src(%arg4 : memref<640x128xf32, #tpu.memory_space<hbm>>) dst(%dma_wait3A_18 : memref<640x128xf32, #tpu.memory_space<vmem_shared>>)
      tpu.yield
    }) : () -> ()
    "tpu.region"() ({
      %run_scoped3A = tpu.sem_alloc : memref<!tpu.dma_semaphore, #tpu.memory_space<semaphore_mem>>
      tpu.enqueue_dma source(%arg3 : memref<128x128xf32, #tpu.memory_space<hbm>>) target(%arg7 : memref<128x128xf32, #tpu.memory_space<vmem>>) target_semaphore(%run_scoped3A : memref<!tpu.dma_semaphore, #tpu.memory_space<semaphore_mem>>)
      tpu.wait_dma2 semaphore(%run_scoped3A : memref<!tpu.dma_semaphore, #tpu.memory_space<semaphore_mem>>) src(%arg3 : memref<128x128xf32, #tpu.memory_space<hbm>>) dst(%arg7 : memref<128x128xf32, #tpu.memory_space<vmem>>)
      tpu.yield
    }) : () -> ()
    %mul3A_1 = arith.constant 1280 : i32
    %mul3A_2 = arith.muli %arg0, %mul3A_1 : i32
    %mul3A_3 = arith.constant 80 : i32
    %mul3A_4 = arith.muli %arg1, %mul3A_3 : i32
    %add3A = arith.addi %mul3A_2, %mul3A_4 : i32
    "tpu.region"() ({
      %run_scoped3A = tpu.sem_alloc : memref<!tpu.dma_semaphore, #tpu.memory_space<semaphore_mem>>
      %dma_start3A = arith.constant 0 : i32
      %dma_start3A_17 = tpu.memref_slice %arg2[%add3A, %dma_start3A] : memref<2560x128xi32, #tpu.memory_space<hbm>> -> memref<80x128xi32, #tpu.memory_space<hbm>>
      %dma_start3A_18 = arith.constant 0 : i32
      %dma_start3A_19 = tpu.memref_slice %arg2[%add3A, %dma_start3A_18] : memref<2560x128xi32, #tpu.memory_space<hbm>> -> memref<80x128xi32, #tpu.memory_space<hbm>>
      tpu.enqueue_dma source(%dma_start3A_19 : memref<80x128xi32, #tpu.memory_space<hbm>>) target(%arg6 : memref<80x128xi32, #tpu.memory_space<vmem>>) target_semaphore(%run_scoped3A : memref<!tpu.dma_semaphore, #tpu.memory_space<semaphore_mem>>)
      %dma_wait3A = arith.constant 0 : i32
      %dma_wait3A_20 = tpu.memref_slice %arg2[%add3A, %dma_wait3A] : memref<2560x128xi32, #tpu.memory_space<hbm>> -> memref<80x128xi32, #tpu.memory_space<hbm>>
      %dma_wait3A_21 = arith.constant 0 : i32
      %dma_wait3A_22 = tpu.memref_slice %arg2[%add3A, %dma_wait3A_21] : memref<2560x128xi32, #tpu.memory_space<hbm>> -> memref<80x128xi32, #tpu.memory_space<hbm>>
      tpu.wait_dma2 semaphore(%run_scoped3A : memref<!tpu.dma_semaphore, #tpu.memory_space<semaphore_mem>>) src(%dma_wait3A_22 : memref<80x128xi32, #tpu.memory_space<hbm>>) dst(%arg6 : memref<80x128xi32, #tpu.memory_space<vmem>>)
      tpu.yield
    }) : () -> ()
    %barrier3A = arith.constant 0 : index
    tpu.barrier barrier_id(%barrier3A)
    %scan3A = arith.constant 0 : i32
    %scan3A_5 = arith.constant 80 : i32
    %scan3A_6 = arith.addi %scan3A, %scan3A_5 : i32
    %scan3A_7 = arith.constant 1 : i32
    scf.for %scan3A_17 = %scan3A to %scan3A_6 step %scan3A_7  : i32 {
      %mul3A_18 = arith.constant 1 : i32
      %mul3A_19 = arith.muli %scan3A_17, %mul3A_18 : i32
      %add3A_20 = arith.constant 0 : i32
      %add3A_21 = arith.addi %add3A_20, %mul3A_19 : i32
      "tpu.region"() ({
        %run_scoped3A = tpu.sem_alloc : memref<!tpu.dma_semaphore, #tpu.memory_space<semaphore_mem>>
        %dma_start3A = arith.constant 0 : i32
        %dma_start3A_22 = tpu.memref_slice %arg6[%add3A_21, %dma_start3A] : memref<80x128xi32, #tpu.memory_space<vmem>> -> memref<1x128xi32, #tpu.memory_space<vmem>>
        %dma_start3A_23 = tpu.memref_squeeze %dma_start3A_22 : memref<1x128xi32, #tpu.memory_space<vmem>> -> memref<128xi32, #tpu.memory_space<vmem>>
        %dma_start3A_24 = arith.constant 0 : i32
        %dma_start3A_25 = arith.constant 0 : i32
        %dma_start3A_26 = tpu.memref_slice %arg8[%dma_start3A_24, %dma_start3A_25] : memref<10240x128xf32, #tpu.memory_space<vmem_shared>> -> memref<10240x128xf32, #tpu.memory_space<vmem_shared>>
        tpu.enqueue_indirect_dma source(%arg7 : memref<128x128xf32, #tpu.memory_space<vmem>>) target(%dma_start3A_26 : memref<10240x128xf32, #tpu.memory_space<vmem_shared>>) offsets(%dma_start3A_23 : memref<128xi32, #tpu.memory_space<vmem>>) semaphore(%run_scoped3A : memref<!tpu.dma_semaphore, #tpu.memory_space<semaphore_mem>>) {add = true}
        %dma_wait3A = arith.constant 0 : i32
        %dma_wait3A_27 = tpu.memref_slice %arg6[%add3A_21, %dma_wait3A] : memref<80x128xi32, #tpu.memory_space<vmem>> -> memref<1x128xi32, #tpu.memory_space<vmem>>
        %dma_wait3A_28 = tpu.memref_squeeze %dma_wait3A_27 : memref<1x128xi32, #tpu.memory_space<vmem>> -> memref<128xi32, #tpu.memory_space<vmem>>
        %dma_wait3A_29 = arith.constant 0 : i32
        %dma_wait3A_30 = arith.constant 0 : i32
        %dma_wait3A_31 = tpu.memref_slice %arg8[%dma_wait3A_29, %dma_wait3A_30] : memref<10240x128xf32, #tpu.memory_space<vmem_shared>> -> memref<10240x128xf32, #tpu.memory_space<vmem_shared>>
        tpu.wait_indirect_dma semaphore(%run_scoped3A : memref<!tpu.dma_semaphore, #tpu.memory_space<semaphore_mem>>) src(%arg7 : memref<128x128xf32, #tpu.memory_space<vmem>>) dst(%dma_wait3A_31 : memref<10240x128xf32, #tpu.memory_space<vmem_shared>>)
        tpu.yield
      }) : () -> ()
    }
    %scan3A_8 = arith.constant 80 : i32
    %barrier3A_9 = arith.constant 0 : index
    tpu.barrier barrier_id(%barrier3A_9)
    %mul3A_10 = arith.constant 640 : i32
    %mul3A_11 = arith.muli %arg1, %mul3A_10 : i32
    %mul3A_12 = arith.constant 10240 : i32
    %mul3A_13 = arith.muli %arg0, %mul3A_12 : i32
    %mul3A_14 = arith.constant 640 : i32
    %mul3A_15 = arith.muli %arg1, %mul3A_14 : i32
    %add3A_16 = arith.addi %mul3A_13, %mul3A_15 : i32
    "tpu.region"() ({
      %run_scoped3A = tpu.sem_alloc : memref<!tpu.dma_semaphore, #tpu.memory_space<semaphore_mem>>
      %dma_start3A = arith.constant 0 : i32
      %dma_start3A_17 = tpu.memref_slice %arg5[%add3A_16, %dma_start3A] : memref<20480x128xf32, #tpu.memory_space<hbm>> -> memref<640x128xf32, #tpu.memory_space<hbm>>
      %dma_start3A_18 = arith.constant 0 : i32
      %dma_start3A_19 = tpu.memref_slice %arg8[%mul3A_11, %dma_start3A_18] : memref<10240x128xf32, #tpu.memory_space<vmem_shared>> -> memref<640x128xf32, #tpu.memory_space<vmem_shared>>
      tpu.enqueue_dma source(%dma_start3A_19 : memref<640x128xf32, #tpu.memory_space<vmem_shared>>) target(%dma_start3A_17 : memref<640x128xf32, #tpu.memory_space<hbm>>) target_semaphore(%run_scoped3A : memref<!tpu.dma_semaphore, #tpu.memory_space<semaphore_mem>>)
      %dma_wait3A = arith.constant 0 : i32
      %dma_wait3A_20 = tpu.memref_slice %arg5[%add3A_16, %dma_wait3A] : memref<20480x128xf32, #tpu.memory_space<hbm>> -> memref<640x128xf32, #tpu.memory_space<hbm>>
      %dma_wait3A_21 = arith.constant 0 : i32
      %dma_wait3A_22 = tpu.memref_slice %arg8[%mul3A_11, %dma_wait3A_21] : memref<10240x128xf32, #tpu.memory_space<vmem_shared>> -> memref<640x128xf32, #tpu.memory_space<vmem_shared>>
      tpu.wait_dma2 semaphore(%run_scoped3A : memref<!tpu.dma_semaphore, #tpu.memory_space<semaphore_mem>>) src(%dma_wait3A_22 : memref<640x128xf32, #tpu.memory_space<vmem_shared>>) dst(%dma_wait3A_20 : memref<640x128xf32, #tpu.memory_space<hbm>>)
      tpu.yield
    }) : () -> ()
    return
  }
}

</mosaic_0001>

<sc_bundles>
// kernel: _sc_counts.3.cloned.1.call-start
scs
__scs_entry_jumppad:
0x0: {  	(pc) =	sbr.rel $0x88, $3  }
0x1: {  	(tag) =	ssettag $0x0;
	lr =	simm.s32 $0x1  }
0x2: {  	[smem:$0x3F9E] =	sst lr;
	_ =	strace $0xD0000000  }
0x3: {  	_ = 	snop  }
0x4: {  	_ = 	snop  }
0x5: {  	_ = 	snop  }
0x6: {  	_ = 	snop  }
0x7: {  	_ = 	snop  }
__scs_overlays_trampoline_lowered:
0x8: {  	[smem:$0x3FAD] =	sst s0  }
0x9: {  	[smem:$0x3FAE] =	sst s1  }
0xa: {  	[smem:$0x3FAF] =	sst s2  }
0xb: {  	[smem:$0x3FB0] =	sst s3  }
0xc: {  	[smem:$0x3FB1] =	sst s4  }
0xd: {  	[smem:$0x3FB2] =	sst s5  }
0xe: {  	[smem:$0x3FB3] =	sst s6  }
0xf: {  	[smem:$0x3FB4] =	sst s7  }
0x10: {  	[smem:$0x3FB5] =	sst s8  }
0x11: {  	[smem:$0x3FB6] =	sst s9;
	s0 =	simm.s32 @!p0 $0x0  }
0x12: {  	s1 =	sld [smem:$0x3F9C];
	s0 =	simm.s32 @p0 $0x1  }
0x13: {  	[smem:$0x3FB7] =	sst s0;
	s0 =	simm.s32 @!p1 $0x0  }
0x14: {  	s2 =	sld [smem:$0x3F9B];
	s0 =	simm.s32 @p1 $0x1  }
0x15: {  	[smem:$0x3FB8] =	sst s0;
	s0 =	simm.s32 @!p2 $0x0  }
0x16: {  	s3 =	sld [smem:$0x3FDB];
	s0 =	simm.s32 @p2 $0x1  }
0x17: {  	s4 =	simm.s32 $0x1BF5;
	[smem:$0x3FBA] =	sst s0  }
0x18: {  	s0 =	sld [smem:$0x3F9D];
	_ =	swait.ge [sflag:s4], $0x0  }
0x19: {  	s7 =	sld [smem:$0x3F9E]  }
0x1a: {  	s8 =	sadd.s32 $0xFFFFE003, lr  }
0x1b: {  	s9 =	sadd.s32 $0xFFFFFEF7, lr;
	s5 =	simm.s32 $0xFFFFFFFF;
	p2 =	slt.u32 s8, $0xFFFFF086  }
0x1c: {  	p1 =	slt.u32 s9, $0xF7A;
	s5 =	simm.s32 @!p2 $0x0  }
0x1d: {  	s5 =	simm.s32 @p1 $0x1;
	p0 =	seq.s32 s7, s2  }
0x1e: {  	s7 =	smul.u32 @!p0 $0xF7A, s2;
	p2 =	seq.s32 @!p0 s5, $0x0  }
0x1f: {  	s9 =	smul.u32 $0xF7A, s1;
	s8 =	simm.s32 @!p0 $0x1BF5;
	p2 =	por !p2, p0  }
0x20: {  	[sflag:s8] =	ssyncset.s32 @!p0 $0xFFFFF086;
	s6 =	sadd.s32 @!p0 s3, s7;
	s7 =	simm.s32 @!p0 $0x108  }
0x21: {  	s3 =	sadd.s32 s3, s9;
	s6 =	sadd.s32 @!p0 $0x88, s6;
	s7 =	simm.s32 @p2 $0x1082  }
0x22: {  	[simem:s7], [sflag:s8] =	dma.local @!p0 [hbm:s6], $0xF7A  }
0x23: {  	s9 =	sor.u32 $0xD0000000, s2;
	s6 =	simm.s32 $0x108;
	_ =	swait.ge @!p0 [sflag:s8], $0x0  }
0x24: {  	s3 =	sadd.s32 $0x88, s3;
	s6 =	simm.s32 @!p1 $0x1082;
	[sflag:s4] =	ssyncset.s32 $0xFFFFF086  }
0x25: {  	[simem:s6], [sflag:s4] =	dma.local [hbm:s3], $0xF7A  }
0x26: {  	[smem:$0x3F9E] =	sst s1;
	(tag) =	ssettag s2;
	_ =	strace s9  }
0x27: {  	s1 =	sld [smem:$0x3FAE]  }
0x28: {  	s2 =	sld [smem:$0x3FAF]  }
0x29: {  	s4 =	sld [smem:$0x3FB1]  }
0x2a: {  	p0 =	seq.s32 s5, $0x0;
	s5 =	sld [smem:$0x3FB2]  }
0x2b: {  	s6 =	sld [smem:$0x3FB3]  }
0x2c: {  	s7 =	sld [smem:$0x3FB4]  }
0x2d: {  	s3 =	simm.s32 $0x108;
	s8 =	sld [smem:$0x3FB5]  }
0x2e: {  	s3 =	simm.s32 @!p0 $0x1082;
	s9 =	sld [smem:$0x3FB6]  }
0x2f: {  	lr =	sadd.s32 s0, s3;
	s0 =	sld [smem:$0x3FAD]  }
0x30: {  	s3 =	sld [smem:$0x3FB0]  }
0x31: {  	[smem:$0x3FB9] =	sst s10  }
0x32: {  	s10 =	sld [smem:$0x3FB7];
	_ =	sdelay $0x3  }
0x33: {  	p0 =	seq.s32 s10, $0x1;
	s10 =	sld [smem:$0x3FB9];
	_ =	sdelay $0x3  }
0x34: {  	[smem:$0x3FB9] =	sst s10  }
0x35: {  	s10 =	sld [smem:$0x3FB8];
	_ =	sdelay $0x3  }
0x36: {  	p1 =	seq.s32 s10, $0x1;
	s10 =	sld [smem:$0x3FB9];
	_ =	sdelay $0x3  }
0x37: {  	[smem:$0x3FB9] =	sst s10  }
0x38: {  	s10 =	sld [smem:$0x3FBA]  }
0x39: {  	_ = 	snop;
	(pc) =	sbr.ind lr, $3  }
0x3a: {  	_ = 	snop  }
0x3b: {  	_ = 	snop  }
0x3c: {  	p2 =	seq.s32 s10, $0x1;
	s10 =	sld [smem:$0x3FB9]  }
0x3d: {  	_ =	shalt  }
0x3e: {  	_ =	shalt  }
0x3f: {  	_ =	shalt  }
0x40: {  	_ =	shalt  }
0x41: {  	_ =	shalt  }
0x42: {  	_ =	shalt  }
0x43: {  	_ =	shalt  }
0x44: {  	_ =	shalt  }
0x45: {  	_ =	shalt  }
0x46: {  	_ =	shalt  }
0x47: {  	_ =	shalt  }
0x48: {  	_ =	shalt  }
0x49: {  	_ =	shalt  }
0x4a: {  	_ =	shalt  }
0x4b: {  	_ =	shalt  }
0x4c: {  	_ =	shalt  }
0x4d: {  	_ =	shalt  }
0x4e: {  	_ =	shalt  }
0x4f: {  	_ =	shalt  }
0x50: {  	_ =	shalt  }
0x51: {  	_ =	shalt  }
0x52: {  	_ =	shalt  }
0x53: {  	_ =	shalt  }
0x54: {  	_ =	shalt  }
0x55: {  	_ =	shalt  }
0x56: {  	_ =	shalt  }
0x57: {  	_ =	shalt  }
0x58: {  	_ =	shalt  }
0x59: {  	_ =	shalt  }
0x5a: {  	_ =	shalt  }
0x5b: {  	_ =	shalt  }
0x5c: {  	_ =	shalt  }
0x5d: {  	_ =	shalt  }
0x5e: {  	_ =	shalt  }
0x5f: {  	_ =	shalt  }
0x60: {  	_ =	shalt  }
0x61: {  	_ =	shalt  }
0x62: {  	_ =	shalt  }
0x63: {  	_ =	shalt  }
0x64: {  	_ =	shalt  }
0x65: {  	_ =	shalt  }
0x66: {  	_ =	shalt  }
0x67: {  	_ =	shalt  }
0x68: {  	_ =	shalt  }
0x69: {  	_ =	shalt  }
0x6a: {  	_ =	shalt  }
0x6b: {  	_ =	shalt  }
0x6c: {  	_ =	shalt  }
0x6d: {  	_ =	shalt  }
0x6e: {  	_ =	shalt  }
0x6f: {  	_ =	shalt  }
0x70: {  	_ =	shalt  }
0x71: {  	_ =	shalt  }
0x72: {  	_ =	shalt  }
0x73: {  	_ =	shalt  }
0x74: {  	_ =	shalt  }
0x75: {  	_ =	shalt  }
0x76: {  	_ =	shalt  }
0x77: {  	_ =	shalt  }
0x78: {  	_ =	shalt  }
0x79: {  	_ =	shalt  }
0x7a: {  	_ =	shalt  }
0x7b: {  	_ =	shalt  }
0x7c: {  	_ =	shalt  }
0x7d: {  	_ =	shalt  }
0x7e: {  	_ =	shalt  }
0x7f: {  	_ =	shalt  }
0x80: {  	_ =	shalt  }
0x81: {  	_ =	shalt  }
0x82: {  	_ =	shalt  }
0x83: {  	_ =	shalt  }
0x84: {  	_ =	shalt  }
0x85: {  	_ =	shalt  }
0x86: {  	_ =	shalt  }
0x87: {  	_ =	shalt  }
.Lfunc_end0:
.L_simem_size_0:
called_computation_lowered:
.L_overlay_start_0:
0x88: {  	s2 =	sld [smem:$0x3FD9]  }
0x89: {  	s3 =	sld [smem:$0x3FFE];
	_ =	sdelay $0x1  }
0x8a: {  	s1 =	srdreg.scid  }
0x8b: {  	s0 =	sand.u32 $0x1, s1  }
0x8c: {  	s18 =	sshll.u32 s0, $0xA;
	s2 =	sadd.s32 s3, s2  }
0x8d: {  	s2 =	sadd.s32 s2, s18  }
0x8e: {  	[smem:$0x3FC5] =	sst s2  }
0x8f: {  	_ = 	snop  }
0x90: {  	s2 =	sld [smem:$0x3FC9]  }
0x91: {  	s19 =	sld [smem:$0x3FC8]  }
0x92: {  	s4 =	sld [smem:$0x3FC7]  }
0x93: {  	s5 =	sld [smem:$0x3FD0];
	(tm) =	ssettm $0x1  }
0x94: {  	s6 =	sld [smem:$0x3FFB];
	_ =	sdelay $0x3  }
0x95: {  	_ =	strace s6  }
0x96: {  	s6 =	sld [smem:$0x3FFC];
	_ =	sdelay $0x3  }
0x97: {  	_ =	strace s6  }
0x98: {  	s6 =	sld [smem:$0x3FFD];
	_ =	sdelay $0x3  }
0x99: {  	_ =	strace s6  }
0x9a: {  	_ =	strace $0x8FFFFFFF  }
0x9b: {  	s20 =	sld [smem:$0x3FDB];
	_ =	sdelay $0x1  }
0x9c: {  	s7 =	simm.s32 $_scs_section_size  }
0x9d: {  	s8 =	simm.s32 $_size__tile_overlayer_lowered;
	s9 =	simm.s32 $_tile_overlayer_lowered  }
0x9e: {  	s23 =	simm.s32 $0x1BFF;
	s22 =	sshll.u32 s9, $0x1;
	s6 =	sadd.s32 s7, s20  }
0x9f: {  	s10 =	simm.s32 $0x0;
	s21 =	sshll.u32 s8, $0x1;
	s8 =	sadd.s32 s22, s6  }
0xa0: {  	[timem:s10], [sflag:s23] =	dma.local [hbm:s8], s21  }
0xa1: {  	_ =	swait.ge [sflag:s23], s21  }
0xa2: {  	s7 =	ssub.s32 $0x0, s21;
	[sflag:s23] =	ssyncset.done $0x0  }
0xa3: {  	[sflag:s23] =	ssyncadd.s32 s7;
	_ =	sdelay $0x1  }
0xa4: {  	s24 =	simm.s32 $0x1B8B  }
0xa5: {  	_ =	swait.ge [sflag:s24], $0x1  }
0xa6: {  	[sflag:s24] =	ssyncset.done $0x0  }
0xa7: {  	s25 =	simm.s32 $0x1B8E;
	[sflag:s24] =	ssyncadd.s32 $0xFFFFFFFF  }
0xa8: {  	s26 =	simm.s32 $execute0_lowered;
	[smem:$0x3FD2] =	sst s25  }
0xa9: {  	s7 =	sshll.u32 s26, $0x1;
	_ =	strace $0x80000046;
	[dreg:$0x1] =	wrdreg $0xFFFFFFFF  }
0xaa: {  	s28 =	simm.s32 $_size_execute0_lowered;
	s6 =	sadd.s32 s6, s7;
	[dreg:$0x0] =	wrdreg $0x0  }
0xab: {  	s7 =	sshll.u32 s28, $0x1;
	[dreg:$0x2] =	wrdreg s6  }
0xac: {  	[dreg:$0x3] =	wrdreg s7  }
0xad: {  	[dreg:$0x4] =	wrdreg $0xC0  }
0xae: {  	_ =	task [dreg:s10], $0x5FFFF  }
0xaf: {  	[dreg:$0x1] =	wrdreg $0xFFFFFFFF  }
0xb0: {  	[dreg:$0x0] =	wrdreg $0x60  }
0xb1: {  	[dreg:$0x2] =	wrdreg s2  }
0xb2: {  	[dreg:$0x3] =	wrdreg s19  }
0xb3: {  	[dreg:$0x4] =	wrdreg s4  }
0xb4: {  	[dreg:$0x5] =	wrdreg s5  }
0xb5: {  	[dreg:$0x6] =	wrdreg $0x68000  }
0xb6: {  	[dreg:$0x7] =	wrdreg $0x9  }
0xb7: {  	_ =	task.clear_ibuf [dreg:s10], $0x8FFFF;
	_ =	strace $0x90000046  }
0xb8: {  	s29 =	simm.s32 $0x9;
	_ =	strace $0x80000048  }
0xb9: {  	_ =	swait.ge [sflag:s29], $0x1  }
0xba: {  	[sflag:s29] =	ssyncadd.s32 $0xFFFFFFFF  }
0xbb: {  	_ =	strace $0x90000048  }
0xbc: {  	_ =	sfence  }
0xbd: {  	s30 =	sld [smem:$0x0];
	_ =	sdelay $0x2  }
0xbe: {  	s31 =	sshll.u32 s1, $0xD;
	s1 =	sshrl.u32 s1, $0x2  }
0xbf: {  	s3 =	sand.u32 $0x4000, s31;
	s1 =	sadd.s32 s1, s30  }
0xc0: {  	s0 =	sor.u32 s3, s0;
	s1 =	sshll.u32 s1, $0x11  }
0xc1: {  	s0 =	sor.u32 s1, s0  }
0xc2: {  	s0 =	sadd.s32 $0x8F2B, s0  }
0xc3: {  	[sflag:s0] =	ssyncadd.remote.s32 $0x1  }
0xc4: {  	_ =	sfence.sel $0xFFFF  }
0xc5: {  	[dreg:$0x0] =	wrdreg $0xFFFFFFFF;
	(pc) =	sbr.abs _section_cstart, $3  }
0xc6: {  	[dreg:$0x1] =	wrdreg $0xFFFFFFFF  }
0xc7: {  	_ =	task.clear_ibuf [dreg:s10], $0x2FFFF;
	_ =	strace $0x9FFFFFFF  }
0xc8: {  	(tm) =	ssettm $0x7FFFFFFF  }
0xc9: {  	_ =	shalt  }
tec
execute0_lowered:
.L_overlay_start_1:
0x0: {  	(tag) =	ssettag $0x1  }
0x1: {  	s7 =	rddreg [dreg:$0x0]  }
0x2: {  	s1 =	rddreg [dreg:$0x1]  }
0x3: {  	s2 =	rddreg [dreg:$0x2]  }
0x4: {  	s8 =	rddreg [dreg:$0x3];
	s0 =	stileid.u32  }
0x5: {  	s3 =	srdreg.scid;
	s6 =	smul.u32 $0x2800, s0  }
0x6: {  	s4 =	rddreg [dreg:$0x4];
	s5 =	simm.s32 $0x0;
	s10 =	smul.u32 $0x50000, s0  }
0x7: {  	s9 =	sand.u32 $0x1, s3;
	s3 =	rddreg [dreg:$0x5];
	s13 =	smul.u32 $0x500, s0  }
0x8: {  	[smem:$0x7FF] =	sst s5;
	s11 =	smul.u32 $0x5000, s9;
	s12 =	ssub.s32 $0x2, s9  }
0x9: {  	s31 =	sshll.u32 s0, $0x6;
	s9 =	smul.u32 $0x28000, s9;
	s14 =	sshrl.u32 s12, $0x1  }
0xa: {  	_ =	strace $0x80000047;
	s10 =	sshrl.u32 s10, $0x2;
	s12 =	ssub.s32 s12, s14  }
0xb: {  	s10 =	sadd.s32 s10, s4;
	s11 =	sadd.s32 s13, s11;
	s9 =	sadd.s32 s6, s9  }
0xc: {  	s6 =	sor.u32 $0x1C01, s31;
	s13 =	simm.s32 $0x80;
	s14 =	simm.s32 $0x0  }
0xd: {  	s7 =	sadd.s32 s7, s11;
	s8 =	sadd.s32 s8, s9;
	s9 =	smax.u32 s12, $0x1  }
0xe: {  	s10 =	sshrl.u32 s10, $0x3;
	s11 =	simm.s32 $0x1;
	s12 =	simm.s32 $0x2800  }
.LBB2_1:
0xf: {  	[spmem:s10], [sflag:s6] =	dma.local [hbm:s2], $0x2800  }
0x10: {  	_ =	swait.ge [sflag:s11], $0x2800  }
0x11: {  	[sflag:s11] =	ssyncset.done $0x0  }
0x12: {  	[sflag:s11] =	ssyncadd.s32 $0xFFFFD800  }
0x13: {  	[tilespmem:s12], [sflag:$0x1] =	stream.linear.gather [hbm4b:s1+s5], $0x4000, $0x38;
	[tilespmem:$0x1A800] =	vst v63  }
0x14: {  	_ =	swait.ge [sflag:s11], $0x4000  }
0x15: {  	[sflag:s11] =	ssyncset.done $0x0  }
0x16: {  	[sflag:s11] =	ssyncadd.s32 $0xFFFFC000  }
0x17: {  	[tilespmem:s5], [sflag:$0x1] =	stream.linear.gather [hbm4b:s7+s5], $0x2800, $0x38;
	[tilespmem:$0x1A800] =	vst v63  }
0x18: {  	_ =	swait.ge [sflag:s11], $0x2800  }
0x19: {  	[sflag:s11] =	ssyncset.done $0x0  }
0x1a: {  	[sflag:s11] =	ssyncadd.s32 $0xFFFFD800  }
0x1b: {  	s15 =	simm.s32 $0x0;
	[bflag:$0x0] =	sbarrier.arrive $0xFFFF  }
0x1c: {  	[spmem:s4] =	stream.indirect.scatter.add.f32 [tilespmem:s12], [sflag:$0x1], $0x80, s15, s13, $0xb8;
	[tilespmem:$0x1A800] =	vst v63  }
0x1d: {  	_ =	swait.ge [sflag:s11], $0x4000  }
0x1e: {  	s15 =	simm.s32 $0x200;
	[sflag:s11] =	ssyncset.done $0x0  }
.LBB2_2:
0x1f: {  	s16 =	sshra.s32 s15, $0x2;
	[sflag:s11] =	ssyncadd.s32 $0xFFFFC000;
	p0 =	sne.s32 s15, $0x9E00  }
0x20: {  	[spmem:s4] =	stream.indirect.scatter.add.f32 [tilespmem:s12], [sflag:$0x1], $0x80, s16, s13, $0xb8;
	[tilespmem:$0x1A800] =	vst v63  }
.Ltmp0:
0x21: {  	_ = 	snop;
	(pc) =	sbr.rel @p0 .LBB2_2-.Ltmp0, $4  }
0x22: {  	_ = 	snop  }
0x23: {  	s15 =	sadd.s32 $0x200, s15  }
0x24: {  	_ =	swait.ge [sflag:s11], $0x4000  }
0x25: {  	[sflag:s11] =	ssyncset.done $0x0  }
0x26: {  	s14 =	sadd.s32 $0x1, s14  }
0x27: {  	[sflag:s11] =	ssyncadd.s32 $0xFFFFC000;
	p0 =	sne.s32 s14, s9  }
.Ltmp1:
0x28: {  	[bflag:$0x0] =	sbarrier.arrive $0xFFFF;
	(pc) =	sbr.rel @p0 .LBB2_1-.Ltmp1, $4  }
0x29: {  	[hbm:s8], [sflag:s6] =	dma.local [spmem:s10], $0x2800  }
0x2a: {  	_ =	swait.ge [sflag:s11], $0x2800  }
0x2b: {  	[sflag:s11] =	ssyncset.done $0x0  }
0x2c: {  	[sflag:s11] =	ssyncadd.s32 $0xFFFFD800  }
0x2d: {  	_ =	sfence.sel $0x180000  }
0x2e: {  	[bflag:$0x0] =	sbarrier.arrive $0xFFFF  }
0x2f: {  	p0 =	sne.s32 s0, $0x0;
	_ =	strace $0x90000047  }
0x30: {  	s0 =	sadd.s32 @!p0 $0x100000, s3;
	[bflag:$0x2] =	sbarrier.arrive $0xFFFF  }
0x31: {  	[sflag:s0] =	ssyncadd.tile.s32 @!p0 $0x1;
	_ =	shalt  }
.Lfunc_end2:
_tile_overlayer_lowered:
.L_overlay_start_2:
0x32: {  	(tag) =	ssettag $0x2  }
0x33: {  	s0 =	rddreg [dreg:$0x0];
	s2 =	stileid.u32  }
0x34: {  	s1 =	rddreg [dreg:$0x1];
	p0 =	sne.s32 s2, $0x0  }
0x35: {  	s3 =	rddreg [dreg:$0x2];
	[bflag:$0x3] =	sbarrier.arrive $0xFFFF;
	s2 =	simm.s32 @!p0 $0x1C01  }
0x36: {  	[timem:s3], [sflag:s2] =	dma.local @!p0 [hbm:s0], s1  }
0x37: {  	s0 =	simm.s32 @!p0 $0x1  }
0x38: {  	_ =	swait.ge @!p0 [sflag:s0], s1  }
0x39: {  	s1 =	ssub.s32 @!p0 $0x0, s1;
	[sflag:s0] =	ssyncset.done @!p0 $0x0  }
0x3a: {  	[sflag:s0] =	ssyncadd.s32 @!p0 s1  }
0x3b: {  	[bflag:$0x3] =	sbarrier.arrive $0xFFFF  }
0x3c: {  	_ =	shalt  }

</sc_bundles>
